<compile_context>
chip_gen: v7x
topology: tpu7x:2x2x1
jax: 0.10.2.dev20260603
libtpu: 0.0.44.dev20260713+nightly
codegen_flags: <defaults>
</compile_context>

<pallas_src>
import functools

import jax
import jax.numpy as jnp
from jax import lax
from jax.experimental import pallas as pl
from jax.experimental.pallas import tpu as pltpu
from jax.experimental.pallas import tpu_sc as plsc

D = 256
G = 2
V = 2048
GV = G * V
N = 4096
R = 256
STEPS = N // R


def _tc_body(x_ref, w_ref, b_ref, g_ref, idx_ref, div_ref, acc_ref):
    i = pl.program_id(0)

    @pl.when(i == 0)
    def _init():
        acc_ref[...] = jnp.zeros_like(acc_ref)

    logits = (
        jnp.dot(x_ref[...], w_ref[...], preferred_element_type=jnp.float32)
        + b_ref[...]
    )
    perturbed = logits + (-jnp.log(-jnp.log(g_ref[...])))

    cols = []
    for g in range(G):
        lg = logits[:, g * V:(g + 1) * V]
        pg = perturbed[:, g * V:(g + 1) * V]
        m = jnp.max(pg, axis=1, keepdims=True)
        iota = lax.broadcasted_iota(jnp.int32, (R, V), 1)
        cols.append(jnp.min(jnp.where(pg == m, iota, V), axis=1, keepdims=True))
        m2 = jnp.max(lg, axis=1, keepdims=True)
        e = jnp.exp(lg - m2)
        s = jnp.sum(e, axis=1, keepdims=True)
        acc_ref[g:g + 1, :] += jnp.sum(e / s, axis=0, keepdims=True)
    idx_ref[...] = jnp.concatenate(cols, axis=1)

    @pl.when(i == STEPS - 1)
    def _finalize():
        marg = acc_ref[...] * (1.0 / N)
        neg_ent = jnp.sum(marg * jnp.log(marg + 1e-7), axis=1, keepdims=True)
        row = lax.broadcasted_iota(jnp.int32, (8, 1), 0)
        perp = jnp.sum(jnp.where(row < G, jnp.exp(-neg_ent), 0.0))
        div_ref[0, 0] = (GV - perp) / GV * 0.1


_tc_call = pl.pallas_call(
    _tc_body,
    grid=(STEPS,),
    in_specs=[
        pl.BlockSpec((R, D), lambda i: (i, 0)),
        pl.BlockSpec((D, GV), lambda i: (0, 0)),
        pl.BlockSpec((1, GV), lambda i: (0, 0)),
        pl.BlockSpec((R, GV), lambda i: (i, 0)),
    ],
    out_specs=[
        pl.BlockSpec((R, G), lambda i: (i, 0)),
        pl.BlockSpec(memory_space=pltpu.MemorySpace.SMEM),
    ],
    out_shape=[
        jax.ShapeDtypeStruct((N, G), jnp.int32),
        jax.ShapeDtypeStruct((1, 1), jnp.float32),
    ],
    scratch_shapes=[pltpu.VMEM((8, V), jnp.float32)],
)


_NC = 2
_NS = 16
_NW = _NC * _NS
_BPW = (N * G) // _NW


@functools.cache
def _sc_gather():
    @functools.partial(
        pl.kernel,
        mesh=plsc.VectorSubcoreMesh(core_axis_name="c", subcore_axis_name="s"),
        out_type=jax.ShapeDtypeStruct((N * G, D // G), jnp.float32),
        scratch_types=[
            pltpu.VMEM((_BPW,), jnp.int32),
            pltpu.VMEM((_BPW, D // G), jnp.float32),
            pltpu.SemaphoreType.DMA,
        ],
    )
    def gather(table_hbm, idx_hbm, out_hbm, idx_v, rows_v, sem):
        wid = lax.axis_index("s") * _NC + lax.axis_index("c")
        base = wid * _BPW
        pltpu.sync_copy(idx_hbm.at[pl.ds(base, _BPW)], idx_v)
        pltpu.async_copy(table_hbm.at[idx_v], rows_v, sem).wait()
        pltpu.sync_copy(rows_v, out_hbm.at[pl.ds(base, _BPW)])

    return gather


def kernel(hidden_states, W, b, codevectors):
    batch, seq, _ = hidden_states.shape
    x = hidden_states.reshape(N, D)
    gkey = jax.random.key(42)
    u = jax.random.uniform(gkey, (N, GV), minval=1e-20, maxval=1.0)
    idx, div = _tc_call(x, W, b.reshape(1, GV), u)
    gidx = (idx + jnp.array([[0, V]], jnp.int32)).reshape(N * G)
    rows = _sc_gather()(codevectors[0], gidx)
    out = rows.reshape(batch, seq, D)
    return out, idx.reshape(batch, G, seq), div[0, 0]

# --- scband reference (transcript-rebuilt; emitter-appended) ---
"""Pipeline reference for scband-gumbel-vector-quantizer-56513179681191 (READ-ONLY COPY).

The authoritative reference and input builder live on the scoring server;
editing this copy changes nothing except your own understanding.
"""

import jax, jax.numpy as jnp
import numpy as np

CODEVECTOR_DIM = 256
NUM_GROUPS = 2
NUM_VARS = 2048
DIVERSITY_WEIGHT = 0.1
TAU = 1.0
B, S = 4, 1024


def setup_inputs(seed: int = 0) -> dict:
    key = jax.random.key(seed)
    k1, k2, k3 = jax.random.split(key, 3)
    hidden_states = jax.random.normal(k1, (B, S, CODEVECTOR_DIM), dtype=jnp.float32)
    W = jax.random.normal(k2, (CODEVECTOR_DIM, NUM_GROUPS * NUM_VARS), dtype=jnp.float32) * 0.02
    b = jnp.zeros((NUM_GROUPS * NUM_VARS,), dtype=jnp.float32)
    codevectors = jax.random.normal(k3, (1, NUM_GROUPS * NUM_VARS, CODEVECTOR_DIM // NUM_GROUPS), dtype=jnp.float32) * 0.02
    return {"hidden_states": hidden_states, "W": W, "b": b, "codevectors": codevectors}


def _compute_perplexity(probs):
    marginal_probs = probs.mean(axis=0)
    return jnp.exp(-jnp.sum(marginal_probs * jnp.log(marginal_probs + 1e-07), axis=-1)).sum()


def reference(hidden_states, W, b, codevectors):
    batch_size, sequence_length, hidden_size = hidden_states.shape
    # weight_proj
    logits = hidden_states @ W + b
    logits = logits.reshape(batch_size * sequence_length * NUM_GROUPS, NUM_VARS)
    # training branch: hard gumbel-softmax (deterministic fixed key for reproducibility)
    gkey = jax.random.key(42)
    u = jax.random.uniform(gkey, logits.shape, minval=1e-20, maxval=1.0)
    gumbels = -jnp.log(-jnp.log(u))
    y_soft = jax.nn.softmax((logits + gumbels) / TAU, axis=-1)
    hard_idx = jnp.argmax(y_soft, axis=-1)
    y_hard = jax.nn.one_hot(hard_idx, NUM_VARS, dtype=logits.dtype)
    gs = y_hard + y_soft - jax.lax.stop_gradient(y_soft)
    # straight-through: probs = hidden + (gs - hidden).detach()
    codevector_probs = logits + jax.lax.stop_gradient(gs - logits)
    codevector_idx = jnp.argmax(codevector_probs, axis=-1)
    codevector_soft_dist = jax.nn.softmax(
        logits.reshape(batch_size * sequence_length, NUM_GROUPS, NUM_VARS), axis=-1)
    perplexity = _compute_perplexity(codevector_soft_dist)
    # codevectors_per_group = probs[:, :, None] * codevectors; sum over num_vars
    # expressed as grouped contraction (identical math, avoids materializing [N, G*V, D/G])
    probs = codevector_probs.reshape(batch_size * sequence_length, NUM_GROUPS, NUM_VARS)
    cb = codevectors[0].reshape(NUM_GROUPS, NUM_VARS, CODEVECTOR_DIM // NUM_GROUPS)
    out = jnp.einsum('ngv,gvd->ngd', probs, cb).reshape(batch_size, sequence_length, -1)
    codevector_idx = codevector_idx.reshape(batch_size, NUM_GROUPS, sequence_length)
    num_codevectors = NUM_VARS * NUM_GROUPS
    diversity_loss = (num_codevectors - perplexity) / num_codevectors * DIVERSITY_WEIGHT
    return (out, codevector_idx, diversity_loss)

if __name__ == "__main__":
    import jax
    _d = setup_inputs()
    print(jax.jit(kernel)(*tuple(_d.values())))

</pallas_src>

<mosaic_0001>
#map = affine_map<(d0, d1) -> (0, 0)>
#map1 = affine_map<(d0, d1) -> (0)>
module attributes {stable_mosaic.version = 14 : i64} {
  func.func @gather(%arg0: i32, %arg1: i32, %arg2: memref<4096x128xf32, #tpu.memory_space<hbm>>, %arg3: memref<8192xi32, #tpu.memory_space<hbm>>, %arg4: memref<8192x128xf32, #tpu.memory_space<hbm>>, %arg5: memref<256xi32, #tpu.memory_space<vmem>>, %arg6: memref<256x128xf32, #tpu.memory_space<vmem>>, %arg7: memref<!tpu.dma_semaphore, #tpu.memory_space<semaphore_mem>>) attributes {dimension_semantics = [#tpu.dimension_semantics<core_parallel>, #tpu.dimension_semantics<subcore_parallel>], iteration_bounds = array<i64: 2, 16>, scalar_prefetch = 0 : i64, scratch_operands = 3 : i64, tpu.core_type = #tpu.core_type<sc_vector_subcore>, window_params = [{transform_indices = #map}, {transform_indices = #map1}, {transform_indices = #map}]} {
    %mul3A = arith.constant 2 : i32
    %mul3A_0 = arith.muli %arg1, %mul3A : i32
    %add3A = arith.addi %mul3A_0, %arg0 : i32
    %mul3A_1 = arith.constant 256 : i32
    %mul3A_2 = arith.muli %add3A, %mul3A_1 : i32
    "tpu.region"() ({
      %run_scoped3A = tpu.sem_alloc : memref<!tpu.dma_semaphore, #tpu.memory_space<semaphore_mem>>
      %dma_start3A_7 = tpu.memref_slice %arg3[%mul3A_2] : memref<8192xi32, #tpu.memory_space<hbm>> -> memref<256xi32, #tpu.memory_space<hbm>>
      %dma_start3A_8 = tpu.memref_slice %arg3[%mul3A_2] : memref<8192xi32, #tpu.memory_space<hbm>> -> memref<256xi32, #tpu.memory_space<hbm>>
      tpu.enqueue_dma source(%dma_start3A_8 : memref<256xi32, #tpu.memory_space<hbm>>) target(%arg5 : memref<256xi32, #tpu.memory_space<vmem>>) target_semaphore(%run_scoped3A : memref<!tpu.dma_semaphore, #tpu.memory_space<semaphore_mem>>)
      %dma_wait3A_9 = tpu.memref_slice %arg3[%mul3A_2] : memref<8192xi32, #tpu.memory_space<hbm>> -> memref<256xi32, #tpu.memory_space<hbm>>
      %dma_wait3A_10 = tpu.memref_slice %arg3[%mul3A_2] : memref<8192xi32, #tpu.memory_space<hbm>> -> memref<256xi32, #tpu.memory_space<hbm>>
      tpu.wait_dma2 semaphore(%run_scoped3A : memref<!tpu.dma_semaphore, #tpu.memory_space<semaphore_mem>>) src(%dma_wait3A_10 : memref<256xi32, #tpu.memory_space<hbm>>) dst(%arg5 : memref<256xi32, #tpu.memory_space<vmem>>)
      tpu.yield
    }) : () -> ()
    %dma_start3A = arith.constant 0 : i32
    %dma_start3A_3 = arith.constant 0 : i32
    %dma_start3A_4 = tpu.memref_slice %arg2[%dma_start3A, %dma_start3A_3] : memref<4096x128xf32, #tpu.memory_space<hbm>> -> memref<4096x128xf32, #tpu.memory_space<hbm>>
    tpu.enqueue_indirect_dma source(%dma_start3A_4 : memref<4096x128xf32, #tpu.memory_space<hbm>>) target(%arg6 : memref<256x128xf32, #tpu.memory_space<vmem>>) offsets(%arg5 : memref<256xi32, #tpu.memory_space<vmem>>) semaphore(%arg7 : memref<!tpu.dma_semaphore, #tpu.memory_space<semaphore_mem>>)
    %dma_wait3A = arith.constant 0 : i32
    %dma_wait3A_5 = arith.constant 0 : i32
    %dma_wait3A_6 = tpu.memref_slice %arg2[%dma_wait3A, %dma_wait3A_5] : memref<4096x128xf32, #tpu.memory_space<hbm>> -> memref<4096x128xf32, #tpu.memory_space<hbm>>
    tpu.wait_indirect_dma semaphore(%arg7 : memref<!tpu.dma_semaphore, #tpu.memory_space<semaphore_mem>>) src(%dma_wait3A_6 : memref<4096x128xf32, #tpu.memory_space<hbm>>) dst(%arg6 : memref<256x128xf32, #tpu.memory_space<vmem>>)
    "tpu.region"() ({
      %run_scoped3A = tpu.sem_alloc : memref<!tpu.dma_semaphore, #tpu.memory_space<semaphore_mem>>
      %dma_start3A_7 = arith.constant 0 : i32
      %dma_start3A_8 = tpu.memref_slice %arg4[%mul3A_2, %dma_start3A_7] : memref<8192x128xf32, #tpu.memory_space<hbm>> -> memref<256x128xf32, #tpu.memory_space<hbm>>
      %dma_start3A_9 = arith.constant 0 : i32
      %dma_start3A_10 = tpu.memref_slice %arg4[%mul3A_2, %dma_start3A_9] : memref<8192x128xf32, #tpu.memory_space<hbm>> -> memref<256x128xf32, #tpu.memory_space<hbm>>
      tpu.enqueue_dma source(%arg6 : memref<256x128xf32, #tpu.memory_space<vmem>>) target(%dma_start3A_10 : memref<256x128xf32, #tpu.memory_space<hbm>>) target_semaphore(%run_scoped3A : memref<!tpu.dma_semaphore, #tpu.memory_space<semaphore_mem>>)
      %dma_wait3A_11 = arith.constant 0 : i32
      %dma_wait3A_12 = tpu.memref_slice %arg4[%mul3A_2, %dma_wait3A_11] : memref<8192x128xf32, #tpu.memory_space<hbm>> -> memref<256x128xf32, #tpu.memory_space<hbm>>
      %dma_wait3A_13 = arith.constant 0 : i32
      %dma_wait3A_14 = tpu.memref_slice %arg4[%mul3A_2, %dma_wait3A_13] : memref<8192x128xf32, #tpu.memory_space<hbm>> -> memref<256x128xf32, #tpu.memory_space<hbm>>
      tpu.wait_dma2 semaphore(%run_scoped3A : memref<!tpu.dma_semaphore, #tpu.memory_space<semaphore_mem>>) src(%arg6 : memref<256x128xf32, #tpu.memory_space<vmem>>) dst(%dma_wait3A_14 : memref<256x128xf32, #tpu.memory_space<hbm>>)
      tpu.yield
    }) : () -> ()
    return
  }
}

module attributes {stable_mosaic.version = 14 : i64} {
  func.func @_tc_body(%arg0: i32, %arg1: memref<256x256xf32, #tpu.memory_space<vmem>>, %arg2: memref<256x4096xf32, #tpu.memory_space<vmem>>, %arg3: memref<1x4096xf32, #tpu.memory_space<vmem>>, %arg4: memref<256x4096xf32, #tpu.memory_space<vmem>>, %arg5: memref<256x2xi32, #tpu.memory_space<vmem>>, %arg6: memref<1x1xf32, #tpu.memory_space<smem>>, %arg7: memref<8x2048xf32, #tpu.memory_space<vmem>>) attributes {dimension_semantics = [#tpu.dimension_semantics<arbitrary>], iteration_bounds = array<i64: 16>, scalar_prefetch = 0 : i64, scratch_operands = 1 : i64, tpu.core_type = #tpu.core_type<tc>, window_params = [{transform_indices = @transform_0, window_bounds = array<i64: 256, 256>}, {pipeline_mode = #tpu.pipeline_mode<synchronous>, transform_indices = @transform_1, window_bounds = array<i64: 256, 4096>}, {pipeline_mode = #tpu.pipeline_mode<synchronous>, transform_indices = @transform_2, window_bounds = array<i64: 1, 4096>}, {transform_indices = @transform_3, window_bounds = array<i64: 256, 4096>}, {transform_indices = @transform_4, window_bounds = array<i64: 256, 2>}, {transform_indices = @transform_5, window_bounds = array<i64: 1, 1>}]} {
    %eq3A = arith.constant 0 : i32
    %eq3A_0 = arith.cmpi eq, %arg0, %eq3A : i32
    %convert_element_type3A = arith.extui %eq3A_0 : i1 to i32
    %cond3A = arith.constant 0 : i32
    %cond3A_1 = arith.cmpi ne, %convert_element_type3A, %cond3A : i32
    scf.if %cond3A_1 {
      %broadcast_in_dim3A_88 = arith.constant 0.000000e+00 : f32
      %broadcast_in_dim3A_89 = vector.broadcast %broadcast_in_dim3A_88 : f32 to vector<8x2048xf32>
      %swap3A_90 = arith.constant 0 : index
      %swap3A_91 = arith.constant 0 : index
      %swap3A_92 = vector.load %arg7[%swap3A_90, %swap3A_91] : memref<8x2048xf32, #tpu.memory_space<vmem>>, vector<8x2048xf32>
      tpu.vector_store %arg7[%swap3A_90, %swap3A_91], %broadcast_in_dim3A_89 {strides = array<i32>} : memref<8x2048xf32, #tpu.memory_space<vmem>>, vector<8x2048xf32>,
    } else {
    }
    %get3A = arith.constant 0 : index
    %get3A_2 = arith.constant 0 : index
    %get3A_3 = vector.load %arg1[%get3A, %get3A_2] : memref<256x256xf32, #tpu.memory_space<vmem>>, vector<256x256xf32>
    %get3A_4 = arith.constant 0 : index
    %get3A_5 = arith.constant 0 : index
    %get3A_6 = vector.load %arg2[%get3A_4, %get3A_5] : memref<256x4096xf32, #tpu.memory_space<vmem>>, vector<256x4096xf32>
    %dot_general3A = arith.constant dense<0.000000e+00> : vector<256x4096xf32>
    %dot_general3A_7 = tpu.matmul %get3A_3, %get3A_6, %dot_general3A {dimension_numbers = #tpu.dot_dimension_numbers<[1], [0], [0], [1], [0, 0, 1, 1], [], []>, transpose_lhs_hint = false} : vector<256x256xf32>, vector<256x4096xf32>, vector<256x4096xf32> -> vector<256x4096xf32>
    %get3A_8 = arith.constant 0 : index
    %get3A_9 = arith.constant 0 : index
    %get3A_10 = vector.load %arg3[%get3A_8, %get3A_9] : memref<1x4096xf32, #tpu.memory_space<vmem>>, vector<1x4096xf32>
    %add3A = vector.broadcast %get3A_10 : vector<1x4096xf32> to vector<256x4096xf32>
    %add3A_11 = arith.addf %dot_general3A_7, %add3A : vector<256x4096xf32>
    %get3A_12 = arith.constant 0 : index
    %get3A_13 = arith.constant 0 : index
    %get3A_14 = vector.load %arg4[%get3A_12, %get3A_13] : memref<256x4096xf32, #tpu.memory_space<vmem>>, vector<256x4096xf32>
    %log3A = math.log %get3A_14 : vector<256x4096xf32>
    %neg3A = arith.constant 0.000000e+00 : f32
    %neg3A_15 = vector.broadcast %neg3A : f32 to vector<256x4096xf32>
    %neg3A_16 = arith.subf %neg3A_15, %log3A : vector<256x4096xf32>
    %log3A_17 = math.log %neg3A_16 : vector<256x4096xf32>
    %neg3A_18 = arith.constant 0.000000e+00 : f32
    %neg3A_19 = vector.broadcast %neg3A_18 : f32 to vector<256x4096xf32>
    %neg3A_20 = arith.subf %neg3A_19, %log3A_17 : vector<256x4096xf32>
    %add3A_21 = arith.addf %add3A_11, %neg3A_20 : vector<256x4096xf32>
    %slice3A = vector.extract_strided_slice %add3A_11 {offsets = [0, 0], sizes = [256, 2048], strides = [1, 1]} : vector<256x4096xf32> to vector<256x2048xf32>
    %slice3A_22 = vector.extract_strided_slice %add3A_21 {offsets = [0, 0], sizes = [256, 2048], strides = [1, 1]} : vector<256x4096xf32> to vector<256x2048xf32>
    %reduce_max3A = arith.constant dense<0xFF800000> : vector<256xf32>
    %reduce_max3A_23 = vector.multi_reduction <maximumf>, %slice3A_22, %reduce_max3A [1] : vector<256x2048xf32> to vector<256xf32>
    %broadcast_in_dim3A = vector.shape_cast %reduce_max3A_23 : vector<256xf32> to vector<256x1xf32>
    %iota3A = tpu.iota {dimensions = array<i32: 1>} : vector<256x2048xi32>
    %eq3A_24 = vector.broadcast %broadcast_in_dim3A : vector<256x1xf32> to vector<256x2048xf32>
    %eq3A_25 = arith.cmpf oeq, %slice3A_22, %eq3A_24 : vector<256x2048xf32>
    %jit3A = arith.constant 2048 : i32
    %broadcast_in_dim3A_26 = vector.broadcast %jit3A : i32 to vector<256x2048xi32>
    %select_n3A = arith.select %eq3A_25, %iota3A, %broadcast_in_dim3A_26 : vector<256x2048xi1>, vector<256x2048xi32>
    %reduce_min3A = arith.constant dense<2147483647> : vector<256xi32>
    %reduce_min3A_27 = vector.multi_reduction <minsi>, %select_n3A, %reduce_min3A [1] : vector<256x2048xi32> to vector<256xi32>
    %broadcast_in_dim3A_28 = vector.shape_cast %reduce_min3A_27 : vector<256xi32> to vector<256x1xi32>
    %reduce_max3A_29 = arith.constant dense<0xFF800000> : vector<256xf32>
    %reduce_max3A_30 = vector.multi_reduction <maximumf>, %slice3A, %reduce_max3A_29 [1] : vector<256x2048xf32> to vector<256xf32>
    %broadcast_in_dim3A_31 = vector.shape_cast %reduce_max3A_30 : vector<256xf32> to vector<256x1xf32>
    %sub3A = vector.broadcast %broadcast_in_dim3A_31 : vector<256x1xf32> to vector<256x2048xf32>
    %sub3A_32 = arith.subf %slice3A, %sub3A : vector<256x2048xf32>
    %exp3A = math.exp %sub3A_32 : vector<256x2048xf32>
    %reduce_sum3A = arith.constant dense<0.000000e+00> : vector<256xf32>
    %reduce_sum3A_33 = vector.multi_reduction <add>, %exp3A, %reduce_sum3A [1] : vector<256x2048xf32> to vector<256xf32>
    %broadcast_in_dim3A_34 = vector.shape_cast %reduce_sum3A_33 : vector<256xf32> to vector<256x1xf32>
    %get3A_35 = arith.constant 0 : index
    %get3A_36 = arith.constant 0 : index
    %get3A_37 = vector.load %arg7[%get3A_35, %get3A_36] : memref<8x2048xf32, #tpu.memory_space<vmem>>, vector<1x2048xf32>
    %div3A = vector.broadcast %broadcast_in_dim3A_34 : vector<256x1xf32> to vector<256x2048xf32>
    %div3A_38 = arith.divf %exp3A, %div3A : vector<256x2048xf32>
    %reduce_sum3A_39 = arith.constant dense<0.000000e+00> : vector<2048xf32>
    %reduce_sum3A_40 = vector.multi_reduction <add>, %div3A_38, %reduce_sum3A_39 [0] : vector<256x2048xf32> to vector<2048xf32>
    %broadcast_in_dim3A_41 = vector.shape_cast %reduce_sum3A_40 : vector<2048xf32> to vector<1x2048xf32>
    %add3A_42 = arith.addf %get3A_37, %broadcast_in_dim3A_41 : vector<1x2048xf32>
    %swap3A = arith.constant 0 : index
    %swap3A_43 = arith.constant 0 : index
    %swap3A_44 = vector.load %arg7[%swap3A, %swap3A_43] : memref<8x2048xf32, #tpu.memory_space<vmem>>, vector<1x2048xf32>
    tpu.vector_store %arg7[%swap3A, %swap3A_43], %add3A_42 {strides = array<i32>} : memref<8x2048xf32, #tpu.memory_space<vmem>>, vector<1x2048xf32>,
    %slice3A_45 = vector.extract_strided_slice %add3A_11 {offsets = [0, 2048], sizes = [256, 2048], strides = [1, 1]} : vector<256x4096xf32> to vector<256x2048xf32>
    %slice3A_46 = vector.extract_strided_slice %add3A_21 {offsets = [0, 2048], sizes = [256, 2048], strides = [1, 1]} : vector<256x4096xf32> to vector<256x2048xf32>
    %reduce_max3A_47 = arith.constant dense<0xFF800000> : vector<256xf32>
    %reduce_max3A_48 = vector.multi_reduction <maximumf>, %slice3A_46, %reduce_max3A_47 [1] : vector<256x2048xf32> to vector<256xf32>
    %broadcast_in_dim3A_49 = vector.shape_cast %reduce_max3A_48 : vector<256xf32> to vector<256x1xf32>
    %iota3A_50 = tpu.iota {dimensions = array<i32: 1>} : vector<256x2048xi32>
    %eq3A_51 = vector.broadcast %broadcast_in_dim3A_49 : vector<256x1xf32> to vector<256x2048xf32>
    %eq3A_52 = arith.cmpf oeq, %slice3A_46, %eq3A_51 : vector<256x2048xf32>
    %jit3A_53 = arith.constant 2048 : i32
    %broadcast_in_dim3A_54 = vector.broadcast %jit3A_53 : i32 to vector<256x2048xi32>
    %select_n3A_55 = arith.select %eq3A_52, %iota3A_50, %broadcast_in_dim3A_54 : vector<256x2048xi1>, vector<256x2048xi32>
    %reduce_min3A_56 = arith.constant dense<2147483647> : vector<256xi32>
    %reduce_min3A_57 = vector.multi_reduction <minsi>, %select_n3A_55, %reduce_min3A_56 [1] : vector<256x2048xi32> to vector<256xi32>
    %broadcast_in_dim3A_58 = vector.shape_cast %reduce_min3A_57 : vector<256xi32> to vector<256x1xi32>
    %reduce_max3A_59 = arith.constant dense<0xFF800000> : vector<256xf32>
    %reduce_max3A_60 = vector.multi_reduction <maximumf>, %slice3A_45, %reduce_max3A_59 [1] : vector<256x2048xf32> to vector<256xf32>
    %broadcast_in_dim3A_61 = vector.shape_cast %reduce_max3A_60 : vector<256xf32> to vector<256x1xf32>
    %sub3A_62 = vector.broadcast %broadcast_in_dim3A_61 : vector<256x1xf32> to vector<256x2048xf32>
    %sub3A_63 = arith.subf %slice3A_45, %sub3A_62 : vector<256x2048xf32>
    %exp3A_64 = math.exp %sub3A_63 : vector<256x2048xf32>
    %reduce_sum3A_65 = arith.constant dense<0.000000e+00> : vector<256xf32>
    %reduce_sum3A_66 = vector.multi_reduction <add>, %exp3A_64, %reduce_sum3A_65 [1] : vector<256x2048xf32> to vector<256xf32>
    %broadcast_in_dim3A_67 = vector.shape_cast %reduce_sum3A_66 : vector<256xf32> to vector<256x1xf32>
    %get3A_68 = arith.constant 1 : index
    %get3A_69 = arith.constant 0 : index
    %get3A_70 = vector.load %arg7[%get3A_68, %get3A_69] : memref<8x2048xf32, #tpu.memory_space<vmem>>, vector<1x2048xf32>
    %div3A_71 = vector.broadcast %broadcast_in_dim3A_67 : vector<256x1xf32> to vector<256x2048xf32>
    %div3A_72 = arith.divf %exp3A_64, %div3A_71 : vector<256x2048xf32>
    %reduce_sum3A_73 = arith.constant dense<0.000000e+00> : vector<2048xf32>
    %reduce_sum3A_74 = vector.multi_reduction <add>, %div3A_72, %reduce_sum3A_73 [0] : vector<256x2048xf32> to vector<2048xf32>
    %broadcast_in_dim3A_75 = vector.shape_cast %reduce_sum3A_74 : vector<2048xf32> to vector<1x2048xf32>
    %add3A_76 = arith.addf %get3A_70, %broadcast_in_dim3A_75 : vector<1x2048xf32>
    %swap3A_77 = arith.constant 1 : index
    %swap3A_78 = arith.constant 0 : index
    %swap3A_79 = vector.load %arg7[%swap3A_77, %swap3A_78] : memref<8x2048xf32, #tpu.memory_space<vmem>>, vector<1x2048xf32>
    tpu.vector_store %arg7[%swap3A_77, %swap3A_78], %add3A_76 {strides = array<i32>} : memref<8x2048xf32, #tpu.memory_space<vmem>>, vector<1x2048xf32>,
    %concatenate3A = tpu.concatenate %broadcast_in_dim3A_28, %broadcast_in_dim3A_58 in 1 : vector<256x1xi32>, vector<256x1xi32> -> vector<256x2xi32>
    %swap3A_80 = arith.constant 0 : index
    %swap3A_81 = arith.constant 0 : index
    %swap3A_82 = vector.load %arg5[%swap3A_80, %swap3A_81] : memref<256x2xi32, #tpu.memory_space<vmem>>, vector<256x2xi32>
    tpu.vector_store %arg5[%swap3A_80, %swap3A_81], %concatenate3A {strides = array<i32>} : memref<256x2xi32, #tpu.memory_space<vmem>>, vector<256x2xi32>,
    %eq3A_83 = arith.constant 15 : i32
    %eq3A_84 = arith.cmpi eq, %arg0, %eq3A_83 : i32
    %convert_element_type3A_85 = arith.extui %eq3A_84 : i1 to i32
    %cond3A_86 = arith.constant 0 : i32
    %cond3A_87 = arith.cmpi ne, %convert_element_type3A_85, %cond3A_86 : i32
    scf.if %cond3A_87 {
      %get3A_88 = arith.constant 0 : index
      %get3A_89 = arith.constant 0 : index
      %get3A_90 = vector.load %arg7[%get3A_88, %get3A_89] : memref<8x2048xf32, #tpu.memory_space<vmem>>, vector<8x2048xf32>
      %mul3A = arith.constant 2.44140625E-4 : f32
      %mul3A_91 = vector.broadcast %mul3A : f32 to vector<8x2048xf32>
      %mul3A_92 = arith.mulf %get3A_90, %mul3A_91 : vector<8x2048xf32>
      %add3A_93 = arith.constant 1.000000e-07 : f32
      %add3A_94 = vector.broadcast %add3A_93 : f32 to vector<8x2048xf32>
      %add3A_95 = arith.addf %mul3A_92, %add3A_94 : vector<8x2048xf32>
      %log3A_96 = math.log %add3A_95 : vector<8x2048xf32>
      %mul3A_97 = arith.mulf %mul3A_92, %log3A_96 : vector<8x2048xf32>
      %reduce_sum3A_98 = arith.constant dense<0.000000e+00> : vector<8xf32>
      %reduce_sum3A_99 = vector.multi_reduction <add>, %mul3A_97, %reduce_sum3A_98 [1] : vector<8x2048xf32> to vector<8xf32>
      %broadcast_in_dim3A_100 = vector.shape_cast %reduce_sum3A_99 : vector<8xf32> to vector<8x1xf32>
      %iota3A_101 = tpu.iota {dimensions = array<i32: 0>} : vector<8x1xi32>
      %lt3A = arith.constant 2 : i32
      %lt3A_102 = vector.broadcast %lt3A : i32 to vector<8x1xi32>
      %lt3A_103 = arith.cmpi slt, %iota3A_101, %lt3A_102 : vector<8x1xi32>
      %neg3A_104 = arith.constant 0.000000e+00 : f32
      %neg3A_105 = vector.broadcast %neg3A_104 : f32 to vector<8x1xf32>
      %neg3A_106 = arith.subf %neg3A_105, %broadcast_in_dim3A_100 : vector<8x1xf32>
      %exp3A_107 = math.exp %neg3A_106 : vector<8x1xf32>
      %jit3A_108 = arith.constant 0.000000e+00 : f32
      %broadcast_in_dim3A_109 = vector.broadcast %jit3A_108 : f32 to vector<8x1xf32>
      %select_n3A_110 = arith.select %lt3A_103, %exp3A_107, %broadcast_in_dim3A_109 : vector<8x1xi1>, vector<8x1xf32>
      %reduce_sum3A_111 = vector.shape_cast %select_n3A_110 : vector<8x1xf32> to vector<1x8x1xf32>
      %reduce_sum3A_112 = arith.constant dense<0.000000e+00> : vector<1xf32>
      %reduce_sum3A_113 = vector.multi_reduction <add>, %reduce_sum3A_111, %reduce_sum3A_112 [1, 2] : vector<1x8x1xf32> to vector<1xf32>
      %reduce_sum3A_114 = vector.shape_cast %reduce_sum3A_113 : vector<1xf32> to vector<1x1x1xf32>
      %reduce_sum3A_115 = vector.extract %reduce_sum3A_114[0, 0, 0] : f32 from vector<1x1x1xf32>
      %sub3A_116 = arith.constant 4.096000e+03 : f32
      %sub3A_117 = arith.subf %sub3A_116, %reduce_sum3A_115 : f32
      %div3A_118 = arith.constant 4.096000e+03 : f32
      %div3A_119 = arith.divf %sub3A_117, %div3A_118 : f32
      %mul3A_120 = arith.constant 1.000000e-01 : f32
      %mul3A_121 = arith.mulf %div3A_119, %mul3A_120 : f32
      %swap3A_122 = arith.constant 0 : index
      %swap3A_123 = arith.constant 0 : index
      %swap3A_124 = memref.load %arg6[%swap3A_122, %swap3A_123] : memref<1x1xf32, #tpu.memory_space<smem>>
      memref.store %mul3A_121, %arg6[%swap3A_122, %swap3A_123] : memref<1x1xf32, #tpu.memory_space<smem>>
    } else {
    }
    return
  }
  func.func @transform_0(%arg0: i32) -> (i32, i32) {
    %c0_i32 = arith.constant 0 : i32
    %c0_i32_0 = arith.constant 0 : i32
    return %arg0, %c0_i32 : i32, i32
  }
  func.func @transform_1(%arg0: i32) -> (i32, i32) {
    %c0_i32 = arith.constant 0 : i32
    %c0_i32_0 = arith.constant 0 : i32
    %c0_i32_1 = arith.constant 0 : i32
    return %c0_i32, %c0_i32_0 : i32, i32
  }
  func.func @transform_2(%arg0: i32) -> (i32, i32) {
    %c0_i32 = arith.constant 0 : i32
    %c0_i32_0 = arith.constant 0 : i32
    %c0_i32_1 = arith.constant 0 : i32
    return %c0_i32, %c0_i32_0 : i32, i32
  }
  func.func @transform_3(%arg0: i32) -> (i32, i32) {
    %c0_i32 = arith.constant 0 : i32
    %c0_i32_0 = arith.constant 0 : i32
    return %arg0, %c0_i32 : i32, i32
  }
  func.func @transform_4(%arg0: i32) -> (i32, i32) {
    %c0_i32 = arith.constant 0 : i32
    %c0_i32_0 = arith.constant 0 : i32
    return %arg0, %c0_i32 : i32, i32
  }
  func.func @transform_5(%arg0: i32) -> (i32, i32) {
    %c0_i32 = arith.constant 0 : i32
    %c0_i32_0 = arith.constant 0 : i32
    %c0_i32_1 = arith.constant 0 : i32
    return %c0_i32, %c0_i32_0 : i32, i32
  }
}

</mosaic_0001>

<sc_bundles>
// kernel: kernel.4.cloned.1.call-start
scs
__scs_entry_jumppad:
0x0: {  	(pc) =	sbr.rel $0x88, $3  }
0x1: {  	(tag) =	ssettag $0x0;
	lr =	simm.s32 $0x1  }
0x2: {  	[smem:$0x3F9D] =	sst lr;
	_ =	strace $0xD0000000  }
0x3: {  	_ = 	snop  }
0x4: {  	_ = 	snop  }
0x5: {  	_ = 	snop  }
0x6: {  	_ = 	snop  }
0x7: {  	_ = 	snop  }
__scs_overlays_trampoline_lowered:
0x8: {  	[smem:$0x3FAC] =	sst s0  }
0x9: {  	[smem:$0x3FAD] =	sst s1  }
0xa: {  	[smem:$0x3FAE] =	sst s2  }
0xb: {  	[smem:$0x3FAF] =	sst s3  }
0xc: {  	[smem:$0x3FB0] =	sst s4  }
0xd: {  	[smem:$0x3FB1] =	sst s5  }
0xe: {  	[smem:$0x3FB2] =	sst s6  }
0xf: {  	[smem:$0x3FB3] =	sst s7  }
0x10: {  	[smem:$0x3FB4] =	sst s8  }
0x11: {  	[smem:$0x3FB5] =	sst s9;
	s0 =	simm.s32 @!p0 $0x0  }
0x12: {  	s1 =	sld [smem:$0x3F9B];
	s0 =	simm.s32 @p0 $0x1  }
0x13: {  	[smem:$0x3FB6] =	sst s0;
	s0 =	simm.s32 @!p1 $0x0  }
0x14: {  	s2 =	sld [smem:$0x3F9A];
	s0 =	simm.s32 @p1 $0x1  }
0x15: {  	[smem:$0x3FB7] =	sst s0;
	s0 =	simm.s32 @!p2 $0x0  }
0x16: {  	s3 =	sld [smem:$0x3FDB];
	s0 =	simm.s32 @p2 $0x1  }
0x17: {  	s4 =	simm.s32 $0x1BF5;
	[smem:$0x3FB9] =	sst s0  }
0x18: {  	s0 =	sld [smem:$0x3F9C];
	_ =	swait.ge [sflag:s4], $0x0  }
0x19: {  	s7 =	sld [smem:$0x3F9D]  }
0x1a: {  	s8 =	sadd.s32 $0xFFFFE003, lr  }
0x1b: {  	s9 =	sadd.s32 $0xFFFFFEF7, lr;
	s5 =	simm.s32 $0xFFFFFFFF;
	p2 =	slt.u32 s8, $0xFFFFF086  }
0x1c: {  	p1 =	slt.u32 s9, $0xF7A;
	s5 =	simm.s32 @!p2 $0x0  }
0x1d: {  	s5 =	simm.s32 @p1 $0x1;
	p0 =	seq.s32 s7, s2  }
0x1e: {  	s7 =	smul.u32 @!p0 $0xF7A, s2;
	p2 =	seq.s32 @!p0 s5, $0x0  }
0x1f: {  	s9 =	smul.u32 $0xF7A, s1;
	s8 =	simm.s32 @!p0 $0x1BF5;
	p2 =	por !p2, p0  }
0x20: {  	[sflag:s8] =	ssyncset.s32 @!p0 $0xFFFFF086;
	s6 =	sadd.s32 @!p0 s3, s7;
	s7 =	simm.s32 @!p0 $0x108  }
0x21: {  	s3 =	sadd.s32 s3, s9;
	s6 =	sadd.s32 @!p0 $0x88, s6;
	s7 =	simm.s32 @p2 $0x1082  }
0x22: {  	[simem:s7], [sflag:s8] =	dma.local @!p0 [hbm:s6], $0xF7A  }
0x23: {  	s9 =	sor.u32 $0xD0000000, s2;
	s6 =	simm.s32 $0x108;
	_ =	swait.ge @!p0 [sflag:s8], $0x0  }
0x24: {  	s3 =	sadd.s32 $0x88, s3;
	s6 =	simm.s32 @!p1 $0x1082;
	[sflag:s4] =	ssyncset.s32 $0xFFFFF086  }
0x25: {  	[simem:s6], [sflag:s4] =	dma.local [hbm:s3], $0xF7A  }
0x26: {  	[smem:$0x3F9D] =	sst s1;
	(tag) =	ssettag s2;
	_ =	strace s9  }
0x27: {  	s1 =	sld [smem:$0x3FAD]  }
0x28: {  	s2 =	sld [smem:$0x3FAE]  }
0x29: {  	s4 =	sld [smem:$0x3FB0]  }
0x2a: {  	p0 =	seq.s32 s5, $0x0;
	s5 =	sld [smem:$0x3FB1]  }
0x2b: {  	s6 =	sld [smem:$0x3FB2]  }
0x2c: {  	s7 =	sld [smem:$0x3FB3]  }
0x2d: {  	s3 =	simm.s32 $0x108;
	s8 =	sld [smem:$0x3FB4]  }
0x2e: {  	s3 =	simm.s32 @!p0 $0x1082;
	s9 =	sld [smem:$0x3FB5]  }
0x2f: {  	lr =	sadd.s32 s0, s3;
	s0 =	sld [smem:$0x3FAC]  }
0x30: {  	s3 =	sld [smem:$0x3FAF]  }
0x31: {  	[smem:$0x3FB8] =	sst s10  }
0x32: {  	s10 =	sld [smem:$0x3FB6];
	_ =	sdelay $0x3  }
0x33: {  	p0 =	seq.s32 s10, $0x1;
	s10 =	sld [smem:$0x3FB8];
	_ =	sdelay $0x3  }
0x34: {  	[smem:$0x3FB8] =	sst s10  }
0x35: {  	s10 =	sld [smem:$0x3FB7];
	_ =	sdelay $0x3  }
0x36: {  	p1 =	seq.s32 s10, $0x1;
	s10 =	sld [smem:$0x3FB8];
	_ =	sdelay $0x3  }
0x37: {  	[smem:$0x3FB8] =	sst s10  }
0x38: {  	s10 =	sld [smem:$0x3FB9]  }
0x39: {  	_ = 	snop;
	(pc) =	sbr.ind lr, $3  }
0x3a: {  	_ = 	snop  }
0x3b: {  	_ = 	snop  }
0x3c: {  	p2 =	seq.s32 s10, $0x1;
	s10 =	sld [smem:$0x3FB8]  }
0x3d: {  	_ =	shalt  }
0x3e: {  	_ =	shalt  }
0x3f: {  	_ =	shalt  }
0x40: {  	_ =	shalt  }
0x41: {  	_ =	shalt  }
0x42: {  	_ =	shalt  }
0x43: {  	_ =	shalt  }
0x44: {  	_ =	shalt  }
0x45: {  	_ =	shalt  }
0x46: {  	_ =	shalt  }
0x47: {  	_ =	shalt  }
0x48: {  	_ =	shalt  }
0x49: {  	_ =	shalt  }
0x4a: {  	_ =	shalt  }
0x4b: {  	_ =	shalt  }
0x4c: {  	_ =	shalt  }
0x4d: {  	_ =	shalt  }
0x4e: {  	_ =	shalt  }
0x4f: {  	_ =	shalt  }
0x50: {  	_ =	shalt  }
0x51: {  	_ =	shalt  }
0x52: {  	_ =	shalt  }
0x53: {  	_ =	shalt  }
0x54: {  	_ =	shalt  }
0x55: {  	_ =	shalt  }
0x56: {  	_ =	shalt  }
0x57: {  	_ =	shalt  }
0x58: {  	_ =	shalt  }
0x59: {  	_ =	shalt  }
0x5a: {  	_ =	shalt  }
0x5b: {  	_ =	shalt  }
0x5c: {  	_ =	shalt  }
0x5d: {  	_ =	shalt  }
0x5e: {  	_ =	shalt  }
0x5f: {  	_ =	shalt  }
0x60: {  	_ =	shalt  }
0x61: {  	_ =	shalt  }
0x62: {  	_ =	shalt  }
0x63: {  	_ =	shalt  }
0x64: {  	_ =	shalt  }
0x65: {  	_ =	shalt  }
0x66: {  	_ =	shalt  }
0x67: {  	_ =	shalt  }
0x68: {  	_ =	shalt  }
0x69: {  	_ =	shalt  }
0x6a: {  	_ =	shalt  }
0x6b: {  	_ =	shalt  }
0x6c: {  	_ =	shalt  }
0x6d: {  	_ =	shalt  }
0x6e: {  	_ =	shalt  }
0x6f: {  	_ =	shalt  }
0x70: {  	_ =	shalt  }
0x71: {  	_ =	shalt  }
0x72: {  	_ =	shalt  }
0x73: {  	_ =	shalt  }
0x74: {  	_ =	shalt  }
0x75: {  	_ =	shalt  }
0x76: {  	_ =	shalt  }
0x77: {  	_ =	shalt  }
0x78: {  	_ =	shalt  }
0x79: {  	_ =	shalt  }
0x7a: {  	_ =	shalt  }
0x7b: {  	_ =	shalt  }
0x7c: {  	_ =	shalt  }
0x7d: {  	_ =	shalt  }
0x7e: {  	_ =	shalt  }
0x7f: {  	_ =	shalt  }
0x80: {  	_ =	shalt  }
0x81: {  	_ =	shalt  }
0x82: {  	_ =	shalt  }
0x83: {  	_ =	shalt  }
0x84: {  	_ =	shalt  }
0x85: {  	_ =	shalt  }
0x86: {  	_ =	shalt  }
0x87: {  	_ =	shalt  }
.Lfunc_end0:
.L_simem_size_0:
called_computation_lowered:
.L_overlay_start_0:
0x88: {  	s2 =	sld [smem:$0x3FD9]  }
0x89: {  	s3 =	sld [smem:$0x3FFE];
	_ =	sdelay $0x1  }
0x8a: {  	s1 =	srdreg.scid  }
0x8b: {  	s0 =	sand.u32 $0x1, s1  }
0x8c: {  	s14 =	sshll.u32 s0, $0xA;
	s2 =	sadd.s32 s3, s2  }
0x8d: {  	s2 =	sadd.s32 s2, s14  }
0x8e: {  	[smem:$0x3FC4] =	sst s2  }
0x8f: {  	_ = 	snop  }
0x90: {  	s2 =	sld [smem:$0x3FD0];
	_ =	sdelay $0x2  }
0x91: {  	s4 =	simm.s32 $0xA;
	s5 =	simm.s32 $0x10;
	s15 =	sld [smem:$0x3FC6]  }
0x92: {  	[smem:s5], [sflag:s4] =	dma.local [hbm:s2], $0x1  }
0x93: {  	_ =	swait.eq [sflag:s4], $0x1  }
0x94: {  	[sflag:s4] =	ssyncset.done $0x0  }
0x95: {  	[sflag:s4] =	ssyncadd.s32 $0xFFFFFFFF  }
0x96: {  	s16 =	sld [smem:$0x10];
	(tm) =	ssettm $0x1  }
0x97: {  	s17 =	sld [smem:$0x3FFB];
	_ =	sdelay $0x3  }
0x98: {  	_ =	strace s17  }
0x99: {  	s4 =	sld [smem:$0x3FFC];
	_ =	sdelay $0x3  }
0x9a: {  	_ =	strace s4  }
0x9b: {  	s4 =	sld [smem:$0x3FFD];
	_ =	sdelay $0x3  }
0x9c: {  	_ =	strace s4  }
0x9d: {  	_ =	strace $0x8FFFFFFF  }
0x9e: {  	s18 =	sld [smem:$0x3FDB];
	_ =	sdelay $0x1  }
0x9f: {  	s19 =	simm.s32 $_scs_section_size  }
0xa0: {  	s6 =	simm.s32 $_size__tile_overlayer_lowered;
	s7 =	simm.s32 $_tile_overlayer_lowered  }
0xa1: {  	s22 =	simm.s32 $0x1BFF;
	s21 =	sshll.u32 s7, $0x1;
	s4 =	sadd.s32 s19, s18  }
0xa2: {  	s8 =	simm.s32 $0x0;
	s20 =	sshll.u32 s6, $0x1;
	s6 =	sadd.s32 s21, s4  }
0xa3: {  	[timem:s8], [sflag:s22] =	dma.local [hbm:s6], s20  }
0xa4: {  	_ =	swait.ge [sflag:s22], s20  }
0xa5: {  	s5 =	ssub.s32 $0x0, s20;
	[sflag:s22] =	ssyncset.done $0x0  }
0xa6: {  	[sflag:s22] =	ssyncadd.s32 s5;
	_ =	sdelay $0x1  }
0xa7: {  	s23 =	simm.s32 $0x1B8B  }
0xa8: {  	_ =	swait.ge [sflag:s23], $0x1  }
0xa9: {  	[sflag:s23] =	ssyncset.done $0x0  }
0xaa: {  	s25 =	simm.s32 $0x1B8E;
	s24 =	sld [smem:$0x3FFE];
	[sflag:s23] =	ssyncadd.s32 $0xFFFFFFFF  }
0xab: {  	s26 =	simm.s32 $execute0_lowered;
	[smem:$0x3FD2] =	sst s25  }
0xac: {  	s6 =	sshll.u32 s26, $0x1;
	_ =	strace $0x80000046;
	[dreg:$0x1] =	wrdreg $0xFFFFFFFF  }
0xad: {  	s28 =	simm.s32 $_size_execute0_lowered;
	s4 =	sadd.s32 s4, s6;
	[dreg:$0x0] =	wrdreg $0x0  }
0xae: {  	s6 =	sshll.u32 s28, $0x1;
	[dreg:$0x2] =	wrdreg s4  }
0xaf: {  	[dreg:$0x3] =	wrdreg s6  }
0xb0: {  	[dreg:$0x4] =	wrdreg $0xC0  }
0xb1: {  	_ =	task [dreg:s8], $0x5FFFF  }
0xb2: {  	[dreg:$0x1] =	wrdreg $0xFFFFFFFF  }
0xb3: {  	[dreg:$0x0] =	wrdreg $0x60  }
0xb4: {  	[dreg:$0x2] =	wrdreg s15  }
0xb5: {  	[dreg:$0x3] =	wrdreg s16  }
0xb6: {  	[dreg:$0x4] =	wrdreg s24  }
0xb7: {  	[dreg:$0x5] =	wrdreg $0x9  }
0xb8: {  	_ =	task.clear_ibuf [dreg:s8], $0x6FFFF;
	_ =	strace $0x90000046  }
0xb9: {  	s29 =	simm.s32 $0x9;
	_ =	strace $0x80000048  }
0xba: {  	_ =	swait.ge [sflag:s29], $0x1  }
0xbb: {  	[sflag:s29] =	ssyncadd.s32 $0xFFFFFFFF  }
0xbc: {  	_ =	strace $0x90000048  }
0xbd: {  	_ =	sfence  }
0xbe: {  	s30 =	sld [smem:$0x0];
	_ =	sdelay $0x2  }
0xbf: {  	s31 =	sshll.u32 s1, $0xD;
	s1 =	sshrl.u32 s1, $0x2  }
0xc0: {  	s3 =	sand.u32 $0x4000, s31;
	s1 =	sadd.s32 s1, s30  }
0xc1: {  	s0 =	sor.u32 s3, s0;
	s1 =	sshll.u32 s1, $0x11  }
0xc2: {  	s0 =	sor.u32 s1, s0  }
0xc3: {  	s0 =	sadd.s32 $0x8F2B, s0  }
0xc4: {  	[sflag:s0] =	ssyncadd.remote.s32 $0x1  }
0xc5: {  	_ =	sfence.sel $0xFFFF  }
0xc6: {  	[dreg:$0x0] =	wrdreg $0xFFFFFFFF;
	(pc) =	sbr.abs _section_cstart, $3  }
0xc7: {  	[dreg:$0x1] =	wrdreg $0xFFFFFFFF  }
0xc8: {  	_ =	task.clear_ibuf [dreg:s8], $0x2FFFF;
	_ =	strace $0x9FFFFFFF  }
0xc9: {  	(tm) =	ssettm $0x7FFFFFFF  }
tec
execute0_lowered:
.L_overlay_start_1:
0x0: {  	(tag) =	ssettag $0x1  }
0x1: {  	s1 =	rddreg [dreg:$0x0];
	s2 =	srdreg.scid  }
0x2: {  	s4 =	rddreg [dreg:$0x1];
	s0 =	stileid.u32  }
0x3: {  	s8 =	rddreg [dreg:$0x2];
	s3 =	simm.s32 $0x0;
	s6 =	sand.u32 $0x1, s2  }
0x4: {  	s5 =	sshll.u32 s0, $0x9;
	s2 =	rddreg [dreg:$0x3];
	s7 =	sshll.u32 s6, $0x8  }
0x5: {  	[smem:$0x7FF] =	sst s3;
	s9 =	sor.u32 s7, s5  }
0x6: {  	_ =	strace $0x80000047;
	s10 =	ssub.s32 $0x2, s6;
	s5 =	sshrl.u32 s9, $0x3  }
0x7: {  	s6 =	simm.s32 $0x100;
	s5 =	sadd.s32 s4, s5;
	s4 =	simm.s32 $0x2  }
0x8: {  	[tilespmem:s3], [sflag:$0x2] =	stream.linear.gather [hbm4b:s5+s3], $0x100, $0x38;
	[tilespmem:$0x8100] =	vst v63  }
0x9: {  	s7 =	simm.s32 $0x1;
	s11 =	sshrl.u32 s10, $0x1;
	_ =	swait.ge [sflag:s4], $0x100  }
0xa: {  	s9 =	sshll.u32 s9, $0x4;
	s31 =	ssub.s32 s10, s11;
	[sflag:s4] =	ssyncset.done $0x0  }
0xb: {  	s8 =	sadd.s32 s9, s8;
	s9 =	smax.u32 s31, $0x1;
	[sflag:s4] =	ssyncadd.s32 $0xFFFFFF00  }
0xc: {  	[tilespmem:s6], [sflag:$0x1] =	stream.indirect.gather [hbm4b:s1+s6], $0x80, s3, s6, $0xb8;
	[tilespmem:$0x8100] =	vst v63  }
0xd: {  	p0 =	sne.s32 s9, $0x1;
	_ =	swait.ge [sflag:s7], $0x8000  }
.Ltmp0:
0xe: {  	[sflag:s7] =	ssyncset.done $0x0;
	(pc) =	sbr.rel @!p0 .LBB2_2-.Ltmp0, $4  }
0xf: {  	s8 =	sadd.s32 $0xE00, s8;
	[sflag:s7] =	ssyncadd.s32 $0xFFFF8000  }
0x10: {  	[hbm4b:s8+s3] =	stream.linear.scatter [tilespmem:s6], [sflag:$0x2], $0x8000, $0x38;
	[tilespmem:$0x8100] =	vst v63  }
0x11: {  	_ =	swait.ge [sflag:s4], $0x8000  }
0x12: {  	s9 =	sadd.s32 $0xFFFFFFFF, s9;
	[sflag:s4] =	ssyncset.done $0x0  }
.LBB2_1:
0x13: {  	p0 =	sne.s32 s9, $0x1;
	s9 =	sadd.s32 $0xFFFFFFFF, s9;
	[sflag:s4] =	ssyncadd.s32 $0xFFFF8000  }
0x14: {  	[tilespmem:s3], [sflag:$0x2] =	stream.linear.gather [hbm4b:s5+s3], $0x100, $0x38;
	[tilespmem:$0x8100] =	vst v63  }
0x15: {  	_ =	swait.ge [sflag:s4], $0x100  }
0x16: {  	[sflag:s4] =	ssyncset.done $0x0  }
0x17: {  	[sflag:s4] =	ssyncadd.s32 $0xFFFFFF00  }
0x18: {  	[tilespmem:s6], [sflag:$0x1] =	stream.indirect.gather [hbm4b:s1+s6], $0x80, s3, s6, $0xb8;
	[tilespmem:$0x8100] =	vst v63  }
0x19: {  	_ =	swait.ge [sflag:s7], $0x8000  }
.Ltmp1:
0x1a: {  	[sflag:s7] =	ssyncset.done $0x0;
	(pc) =	sbr.rel @p0 .LBB2_1-.Ltmp1, $4  }
0x1b: {  	[sflag:s7] =	ssyncadd.s32 $0xFFFF8000  }
0x1c: {  	[hbm4b:s8+s3] =	stream.linear.scatter [tilespmem:s6], [sflag:$0x2], $0x8000, $0x38;
	[tilespmem:$0x8100] =	vst v63  }
0x1d: {  	_ =	swait.ge [sflag:s4], $0x8000  }
0x1e: {  	[sflag:s4] =	ssyncset.done $0x0  }
.LBB2_2:
0x1f: {  	[sflag:s4] =	ssyncadd.s32 $0xFFFF8000  }
0x20: {  	_ =	sfence.sel $0x180000  }
0x21: {  	[bflag:$0x0] =	sbarrier.arrive $0xFFFF  }
0x22: {  	p0 =	sne.s32 s0, $0x0;
	_ =	strace $0x90000047  }
0x23: {  	s0 =	sadd.s32 @!p0 $0x100000, s2;
	[bflag:$0x2] =	sbarrier.arrive $0xFFFF  }
0x24: {  	[sflag:s0] =	ssyncadd.tile.s32 @!p0 $0x1;
	_ =	shalt  }
.Lfunc_end2:
_tile_overlayer_lowered:
.L_overlay_start_2:
0x25: {  	(tag) =	ssettag $0x2  }
0x26: {  	s0 =	rddreg [dreg:$0x0];
	s2 =	stileid.u32  }
0x27: {  	s1 =	rddreg [dreg:$0x1];
	p0 =	sne.s32 s2, $0x0  }
0x28: {  	s3 =	rddreg [dreg:$0x2];
	[bflag:$0x3] =	sbarrier.arrive $0xFFFF;
	s2 =	simm.s32 @!p0 $0x1C02  }
0x29: {  	[timem:s3], [sflag:s2] =	dma.local @!p0 [hbm:s0], s1  }
0x2a: {  	s0 =	simm.s32 @!p0 $0x2  }
0x2b: {  	_ =	swait.ge @!p0 [sflag:s0], s1  }
0x2c: {  	s1 =	ssub.s32 @!p0 $0x0, s1;
	[sflag:s0] =	ssyncset.done @!p0 $0x0  }
0x2d: {  	[sflag:s0] =	ssyncadd.s32 @!p0 s1  }
0x2e: {  	[bflag:$0x3] =	sbarrier.arrive $0xFFFF  }
0x2f: {  	_ =	shalt  }

</sc_bundles>
